<compile_context>
chip_gen: v7x
topology: tpu7x:2x2x1
jax: 0.10.2.dev20260603
libtpu: 0.0.44.dev20260713+nightly
codegen_flags: <defaults>
</compile_context>

<pallas_src>
import functools

import jax
from jax import lax
from jax.experimental import pallas as pl
from jax.experimental.pallas import tpu as pltpu
from jax.experimental.pallas import tpu_sc as plsc

_NUM_CORES = 2
_NUM_SUBCORES = 16
_NUM_WORKERS = _NUM_CORES * _NUM_SUBCORES
_CHUNK_ROWS = 16
_NBUF = 3


def _make_sc_copy(seq_len, n_embd, dtype):
    rows_per_w = seq_len // _NUM_WORKERS
    n_chunks = rows_per_w // _CHUNK_ROWS
    mesh = plsc.VectorSubcoreMesh(
        core_axis_name="c", subcore_axis_name="s"
    )

    @functools.partial(
        pl.kernel,
        mesh=mesh,
        out_type=jax.ShapeDtypeStruct((seq_len, n_embd), dtype),
        scratch_types=(
            [pltpu.VMEM_SHARED((_NBUF, _NUM_SUBCORES, _CHUNK_ROWS, n_embd), dtype)]
            + [pltpu.SemaphoreType.DMA] * (2 * _NBUF)
        ),
    )
    def sc_copy(table_hbm, out_hbm, spbuf, *sems):
        rsems = sems[:_NBUF]
        wsems = sems[_NBUF:]
        s = lax.axis_index("s")
        wid = s * _NUM_CORES + lax.axis_index("c")
        base = wid * rows_per_w

        def read(i):
            return pltpu.make_async_copy(
                table_hbm.at[pl.ds(base + i * _CHUNK_ROWS, _CHUNK_ROWS)],
                spbuf.at[i % _NBUF, s],
                rsems[i % _NBUF],
            )

        def write(i):
            return pltpu.make_async_copy(
                spbuf.at[i % _NBUF, s],
                out_hbm.at[pl.ds(base + i * _CHUNK_ROWS, _CHUNK_ROWS)],
                wsems[i % _NBUF],
            )

        def xfer(i, bi, src_is_table):
            if src_is_table:
                return pltpu.make_async_copy(
                    table_hbm.at[pl.ds(base + i * _CHUNK_ROWS, _CHUNK_ROWS)],
                    spbuf.at[bi, s],
                    rsems[bi],
                )
            return pltpu.make_async_copy(
                spbuf.at[bi, s],
                out_hbm.at[pl.ds(base + i * _CHUNK_ROWS, _CHUNK_ROWS)],
                wsems[bi],
            )

        read(0).start()
        read(1).start()
        read(0).wait()
        write(0).start()
        read(2).start()

        n_blocks = (n_chunks - 1) // _NBUF

        def block(k, _):
            for b in range(_NBUF):
                i = 1 + k * _NBUF + b
                bi = (1 + b) % _NBUF
                xfer(i, bi, True).wait()
                xfer(i, bi, False).start()

                @pl.when(i + _NBUF - 1 < n_chunks)
                def _():
                    xfer(i - 1, b % _NBUF, False).wait()
                    xfer(i + _NBUF - 1, b % _NBUF, True).start()
            return _

        lax.fori_loop(0, n_blocks, block, None)

        for i in range(n_chunks - _NBUF, n_chunks):
            write(i).wait()

    return sc_copy


def kernel(x, emb_weight):
    seq_len = x.shape[1]
    n_embd = emb_weight.shape[1]
    return _make_sc_copy(seq_len, n_embd, emb_weight.dtype)(emb_weight)

# --- scband reference (transcript-rebuilt; emitter-appended) ---
"""Pipeline reference for scband-learned-position-embedding-11201274708430 (READ-ONLY COPY).

The authoritative reference and input builder live on the scoring server;
editing this copy changes nothing except your own understanding.
"""

import jax, jax.numpy as jnp
import numpy as np

SEQ_LEN = 8192
N_EMBD = 2048

def setup_inputs(seed: int = 0) -> dict:
    key = jax.random.key(seed)
    k1, k2 = jax.random.split(key)
    x = jax.random.normal(k1, (1, SEQ_LEN, N_EMBD), dtype=jnp.float32)
    # nn.Embedding weight initialized normal(mean=0, std=0.2)
    emb_weight = jax.random.normal(k2, (SEQ_LEN, N_EMBD), dtype=jnp.float32) * 0.2
    return {"x": x, "emb_weight": emb_weight}

def reference(x, emb_weight):
    seq_len = x.shape[1]
    idx = jnp.arange(0, seq_len)
    # embedding lookup: gather rows of the table
    return jnp.take(emb_weight, idx, axis=0)

if __name__ == "__main__":
    import jax
    _d = setup_inputs()
    print(jax.jit(kernel)(*tuple(_d.values())))

</pallas_src>

<mosaic_0001>
#map = affine_map<(d0, d1) -> (0, 0)>
module attributes {stable_mosaic.version = 14 : i64} {
  func.func @sc_copy(%arg0: i32, %arg1: i32, %arg2: memref<8192x2048xf32, #tpu.memory_space<hbm>>, %arg3: memref<8192x2048xf32, #tpu.memory_space<hbm>>, %arg4: memref<3x16x16x2048xf32, #tpu.memory_space<vmem_shared>>, %arg5: memref<!tpu.dma_semaphore, #tpu.memory_space<semaphore_mem>>, %arg6: memref<!tpu.dma_semaphore, #tpu.memory_space<semaphore_mem>>, %arg7: memref<!tpu.dma_semaphore, #tpu.memory_space<semaphore_mem>>, %arg8: memref<!tpu.dma_semaphore, #tpu.memory_space<semaphore_mem>>, %arg9: memref<!tpu.dma_semaphore, #tpu.memory_space<semaphore_mem>>, %arg10: memref<!tpu.dma_semaphore, #tpu.memory_space<semaphore_mem>>) attributes {dimension_semantics = [#tpu.dimension_semantics<core_parallel>, #tpu.dimension_semantics<subcore_parallel>], iteration_bounds = array<i64: 2, 16>, scalar_prefetch = 0 : i64, scratch_operands = 7 : i64, tpu.core_type = #tpu.core_type<sc_vector_subcore>, window_params = [{transform_indices = #map}, {transform_indices = #map}]} {
    %mul3A = arith.constant 2 : i32
    %mul3A_0 = arith.muli %arg1, %mul3A : i32
    %add3A = arith.addi %mul3A_0, %arg0 : i32
    %mul3A_1 = arith.constant 256 : i32
    %mul3A_2 = arith.muli %add3A, %mul3A_1 : i32
    %add3A_3 = arith.constant 0 : i32
    %add3A_4 = arith.addi %mul3A_2, %add3A_3 : i32
    %dma_start3A = arith.constant 0 : i32
    %dma_start3A_5 = arith.constant 0 : i32
    %dma_start3A_6 = arith.constant 0 : i32
    %dma_start3A_7 = tpu.memref_slice %arg4[%dma_start3A, %arg1, %dma_start3A_5, %dma_start3A_6] : memref<3x16x16x2048xf32, #tpu.memory_space<vmem_shared>> -> memref<1x1x16x2048xf32, #tpu.memory_space<vmem_shared>>
    %dma_start3A_8 = tpu.memref_squeeze %dma_start3A_7 : memref<1x1x16x2048xf32, #tpu.memory_space<vmem_shared>> -> memref<16x2048xf32, #tpu.memory_space<vmem_shared>>
    %dma_start3A_9 = arith.constant 0 : i32
    %dma_start3A_10 = tpu.memref_slice %arg2[%add3A_4, %dma_start3A_9] : memref<8192x2048xf32, #tpu.memory_space<hbm>> -> memref<16x2048xf32, #tpu.memory_space<hbm>>
    tpu.enqueue_dma source(%dma_start3A_10 : memref<16x2048xf32, #tpu.memory_space<hbm>>) target(%dma_start3A_8 : memref<16x2048xf32, #tpu.memory_space<vmem_shared>>) target_semaphore(%arg5 : memref<!tpu.dma_semaphore, #tpu.memory_space<semaphore_mem>>)
    %add3A_11 = arith.constant 16 : i32
    %add3A_12 = arith.addi %mul3A_2, %add3A_11 : i32
    %dma_start3A_13 = arith.constant 1 : i32
    %dma_start3A_14 = arith.constant 0 : i32
    %dma_start3A_15 = arith.constant 0 : i32
    %dma_start3A_16 = tpu.memref_slice %arg4[%dma_start3A_13, %arg1, %dma_start3A_14, %dma_start3A_15] : memref<3x16x16x2048xf32, #tpu.memory_space<vmem_shared>> -> memref<1x1x16x2048xf32, #tpu.memory_space<vmem_shared>>
    %dma_start3A_17 = tpu.memref_squeeze %dma_start3A_16 : memref<1x1x16x2048xf32, #tpu.memory_space<vmem_shared>> -> memref<16x2048xf32, #tpu.memory_space<vmem_shared>>
    %dma_start3A_18 = arith.constant 0 : i32
    %dma_start3A_19 = tpu.memref_slice %arg2[%add3A_12, %dma_start3A_18] : memref<8192x2048xf32, #tpu.memory_space<hbm>> -> memref<16x2048xf32, #tpu.memory_space<hbm>>
    tpu.enqueue_dma source(%dma_start3A_19 : memref<16x2048xf32, #tpu.memory_space<hbm>>) target(%dma_start3A_17 : memref<16x2048xf32, #tpu.memory_space<vmem_shared>>) target_semaphore(%arg6 : memref<!tpu.dma_semaphore, #tpu.memory_space<semaphore_mem>>)
    %add3A_20 = arith.constant 0 : i32
    %add3A_21 = arith.addi %mul3A_2, %add3A_20 : i32
    %dma_wait3A = arith.constant 0 : i32
    %dma_wait3A_22 = arith.constant 0 : i32
    %dma_wait3A_23 = arith.constant 0 : i32
    %dma_wait3A_24 = tpu.memref_slice %arg4[%dma_wait3A, %arg1, %dma_wait3A_22, %dma_wait3A_23] : memref<3x16x16x2048xf32, #tpu.memory_space<vmem_shared>> -> memref<1x1x16x2048xf32, #tpu.memory_space<vmem_shared>>
    %dma_wait3A_25 = tpu.memref_squeeze %dma_wait3A_24 : memref<1x1x16x2048xf32, #tpu.memory_space<vmem_shared>> -> memref<16x2048xf32, #tpu.memory_space<vmem_shared>>
    %dma_wait3A_26 = arith.constant 0 : i32
    %dma_wait3A_27 = tpu.memref_slice %arg2[%add3A_21, %dma_wait3A_26] : memref<8192x2048xf32, #tpu.memory_space<hbm>> -> memref<16x2048xf32, #tpu.memory_space<hbm>>
    tpu.wait_dma2 semaphore(%arg5 : memref<!tpu.dma_semaphore, #tpu.memory_space<semaphore_mem>>) src(%dma_wait3A_27 : memref<16x2048xf32, #tpu.memory_space<hbm>>) dst(%dma_wait3A_25 : memref<16x2048xf32, #tpu.memory_space<vmem_shared>>)
    %add3A_28 = arith.constant 0 : i32
    %add3A_29 = arith.addi %mul3A_2, %add3A_28 : i32
    %dma_start3A_30 = arith.constant 0 : i32
    %dma_start3A_31 = arith.constant 0 : i32
    %dma_start3A_32 = tpu.memref_slice %arg3[%add3A_29, %dma_start3A_31] : memref<8192x2048xf32, #tpu.memory_space<hbm>> -> memref<16x2048xf32, #tpu.memory_space<hbm>>
    %dma_start3A_33 = arith.constant 0 : i32
    %dma_start3A_34 = arith.constant 0 : i32
    %dma_start3A_35 = tpu.memref_slice %arg4[%dma_start3A_30, %arg1, %dma_start3A_33, %dma_start3A_34] : memref<3x16x16x2048xf32, #tpu.memory_space<vmem_shared>> -> memref<1x1x16x2048xf32, #tpu.memory_space<vmem_shared>>
    %dma_start3A_36 = tpu.memref_squeeze %dma_start3A_35 : memref<1x1x16x2048xf32, #tpu.memory_space<vmem_shared>> -> memref<16x2048xf32, #tpu.memory_space<vmem_shared>>
    tpu.enqueue_dma source(%dma_start3A_36 : memref<16x2048xf32, #tpu.memory_space<vmem_shared>>) target(%dma_start3A_32 : memref<16x2048xf32, #tpu.memory_space<hbm>>) target_semaphore(%arg8 : memref<!tpu.dma_semaphore, #tpu.memory_space<semaphore_mem>>)
    %add3A_37 = arith.constant 32 : i32
    %add3A_38 = arith.addi %mul3A_2, %add3A_37 : i32
    %dma_start3A_39 = arith.constant 2 : i32
    %dma_start3A_40 = arith.constant 0 : i32
    %dma_start3A_41 = arith.constant 0 : i32
    %dma_start3A_42 = tpu.memref_slice %arg4[%dma_start3A_39, %arg1, %dma_start3A_40, %dma_start3A_41] : memref<3x16x16x2048xf32, #tpu.memory_space<vmem_shared>> -> memref<1x1x16x2048xf32, #tpu.memory_space<vmem_shared>>
    %dma_start3A_43 = tpu.memref_squeeze %dma_start3A_42 : memref<1x1x16x2048xf32, #tpu.memory_space<vmem_shared>> -> memref<16x2048xf32, #tpu.memory_space<vmem_shared>>
    %dma_start3A_44 = arith.constant 0 : i32
    %dma_start3A_45 = tpu.memref_slice %arg2[%add3A_38, %dma_start3A_44] : memref<8192x2048xf32, #tpu.memory_space<hbm>> -> memref<16x2048xf32, #tpu.memory_space<hbm>>
    tpu.enqueue_dma source(%dma_start3A_45 : memref<16x2048xf32, #tpu.memory_space<hbm>>) target(%dma_start3A_43 : memref<16x2048xf32, #tpu.memory_space<vmem_shared>>) target_semaphore(%arg7 : memref<!tpu.dma_semaphore, #tpu.memory_space<semaphore_mem>>)
    %scan3A = arith.constant 0 : i32
    %scan3A_46 = arith.constant 5 : i32
    %scan3A_47 = arith.addi %scan3A, %scan3A_46 : i32
    %scan3A_48 = arith.constant 1 : i32
    scf.for %scan3A_77 = %scan3A to %scan3A_47 step %scan3A_48  : i32 {
      %mul3A_78 = arith.constant 3 : i32
      %mul3A_79 = arith.muli %scan3A_77, %mul3A_78 : i32
      %add3A_80 = arith.constant 1 : i32
      %add3A_81 = arith.addi %add3A_80, %mul3A_79 : i32
      %add3A_82 = arith.constant 0 : i32
      %add3A_83 = arith.addi %add3A_81, %add3A_82 : i32
      %mul3A_84 = arith.constant 16 : i32
      %mul3A_85 = arith.muli %add3A_83, %mul3A_84 : i32
      %add3A_86 = arith.addi %mul3A_2, %mul3A_85 : i32
      %dma_wait3A_87 = arith.constant 1 : i32
      %dma_wait3A_88 = arith.constant 0 : i32
      %dma_wait3A_89 = arith.constant 0 : i32
      %dma_wait3A_90 = tpu.memref_slice %arg4[%dma_wait3A_87, %arg1, %dma_wait3A_88, %dma_wait3A_89] : memref<3x16x16x2048xf32, #tpu.memory_space<vmem_shared>> -> memref<1x1x16x2048xf32, #tpu.memory_space<vmem_shared>>
      %dma_wait3A_91 = tpu.memref_squeeze %dma_wait3A_90 : memref<1x1x16x2048xf32, #tpu.memory_space<vmem_shared>> -> memref<16x2048xf32, #tpu.memory_space<vmem_shared>>
      %dma_wait3A_92 = arith.constant 0 : i32
      %dma_wait3A_93 = tpu.memref_slice %arg2[%add3A_86, %dma_wait3A_92] : memref<8192x2048xf32, #tpu.memory_space<hbm>> -> memref<16x2048xf32, #tpu.memory_space<hbm>>
      tpu.wait_dma2 semaphore(%arg6 : memref<!tpu.dma_semaphore, #tpu.memory_space<semaphore_mem>>) src(%dma_wait3A_93 : memref<16x2048xf32, #tpu.memory_space<hbm>>) dst(%dma_wait3A_91 : memref<16x2048xf32, #tpu.memory_space<vmem_shared>>)
      %mul3A_94 = arith.constant 16 : i32
      %mul3A_95 = arith.muli %add3A_83, %mul3A_94 : i32
      %add3A_96 = arith.addi %mul3A_2, %mul3A_95 : i32
      %dma_start3A_97 = arith.constant 1 : i32
      %dma_start3A_98 = arith.constant 0 : i32
      %dma_start3A_99 = tpu.memref_slice %arg3[%add3A_96, %dma_start3A_98] : memref<8192x2048xf32, #tpu.memory_space<hbm>> -> memref<16x2048xf32, #tpu.memory_space<hbm>>
      %dma_start3A_100 = arith.constant 0 : i32
      %dma_start3A_101 = arith.constant 0 : i32
      %dma_start3A_102 = tpu.memref_slice %arg4[%dma_start3A_97, %arg1, %dma_start3A_100, %dma_start3A_101] : memref<3x16x16x2048xf32, #tpu.memory_space<vmem_shared>> -> memref<1x1x16x2048xf32, #tpu.memory_space<vmem_shared>>
      %dma_start3A_103 = tpu.memref_squeeze %dma_start3A_102 : memref<1x1x16x2048xf32, #tpu.memory_space<vmem_shared>> -> memref<16x2048xf32, #tpu.memory_space<vmem_shared>>
      tpu.enqueue_dma source(%dma_start3A_103 : memref<16x2048xf32, #tpu.memory_space<vmem_shared>>) target(%dma_start3A_99 : memref<16x2048xf32, #tpu.memory_space<hbm>>) target_semaphore(%arg9 : memref<!tpu.dma_semaphore, #tpu.memory_space<semaphore_mem>>)
      %add3A_104 = arith.constant 3 : i32
      %add3A_105 = arith.addi %add3A_83, %add3A_104 : i32
      %sub3A = arith.constant 1 : i32
      %sub3A_106 = arith.subi %add3A_105, %sub3A : i32
      %lt3A = arith.constant 16 : i32
      %lt3A_107 = arith.cmpi slt, %sub3A_106, %lt3A : i32
      %convert_element_type3A = arith.extui %lt3A_107 : i1 to i32
      %cond3A = arith.constant 0 : i32
      %cond3A_108 = arith.cmpi ne, %convert_element_type3A, %cond3A : i32
      scf.if %cond3A_108 {
        %sub3A_179 = arith.constant 1 : i32
        %sub3A_180 = arith.subi %add3A_83, %sub3A_179 : i32
        %mul3A_181 = arith.constant 16 : i32
        %mul3A_182 = arith.muli %sub3A_180, %mul3A_181 : i32
        %add3A_183 = arith.addi %mul3A_2, %mul3A_182 : i32
        %dma_wait3A_184 = arith.constant 0 : i32
        %dma_wait3A_185 = arith.constant 0 : i32
        %dma_wait3A_186 = tpu.memref_slice %arg3[%add3A_183, %dma_wait3A_185] : memref<8192x2048xf32, #tpu.memory_space<hbm>> -> memref<16x2048xf32, #tpu.memory_space<hbm>>
        %dma_wait3A_187 = arith.constant 0 : i32
        %dma_wait3A_188 = arith.constant 0 : i32
        %dma_wait3A_189 = tpu.memref_slice %arg4[%dma_wait3A_184, %arg1, %dma_wait3A_187, %dma_wait3A_188] : memref<3x16x16x2048xf32, #tpu.memory_space<vmem_shared>> -> memref<1x1x16x2048xf32, #tpu.memory_space<vmem_shared>>
        %dma_wait3A_190 = tpu.memref_squeeze %dma_wait3A_189 : memref<1x1x16x2048xf32, #tpu.memory_space<vmem_shared>> -> memref<16x2048xf32, #tpu.memory_space<vmem_shared>>
        tpu.wait_dma2 semaphore(%arg8 : memref<!tpu.dma_semaphore, #tpu.memory_space<semaphore_mem>>) src(%dma_wait3A_190 : memref<16x2048xf32, #tpu.memory_space<vmem_shared>>) dst(%dma_wait3A_186 : memref<16x2048xf32, #tpu.memory_space<hbm>>)
        %add3A_191 = arith.constant 3 : i32
        %add3A_192 = arith.addi %add3A_83, %add3A_191 : i32
        %sub3A_193 = arith.constant 1 : i32
        %sub3A_194 = arith.subi %add3A_192, %sub3A_193 : i32
        %mul3A_195 = arith.constant 16 : i32
        %mul3A_196 = arith.muli %sub3A_194, %mul3A_195 : i32
        %add3A_197 = arith.addi %mul3A_2, %mul3A_196 : i32
        %dma_start3A_198 = arith.constant 0 : i32
        %dma_start3A_199 = arith.constant 0 : i32
        %dma_start3A_200 = arith.constant 0 : i32
        %dma_start3A_201 = tpu.memref_slice %arg4[%dma_start3A_198, %arg1, %dma_start3A_199, %dma_start3A_200] : memref<3x16x16x2048xf32, #tpu.memory_space<vmem_shared>> -> memref<1x1x16x2048xf32, #tpu.memory_space<vmem_shared>>
        %dma_start3A_202 = tpu.memref_squeeze %dma_start3A_201 : memref<1x1x16x2048xf32, #tpu.memory_space<vmem_shared>> -> memref<16x2048xf32, #tpu.memory_space<vmem_shared>>
        %dma_start3A_203 = arith.constant 0 : i32
        %dma_start3A_204 = tpu.memref_slice %arg2[%add3A_197, %dma_start3A_203] : memref<8192x2048xf32, #tpu.memory_space<hbm>> -> memref<16x2048xf32, #tpu.memory_space<hbm>>
        tpu.enqueue_dma source(%dma_start3A_204 : memref<16x2048xf32, #tpu.memory_space<hbm>>) target(%dma_start3A_202 : memref<16x2048xf32, #tpu.memory_space<vmem_shared>>) target_semaphore(%arg5 : memref<!tpu.dma_semaphore, #tpu.memory_space<semaphore_mem>>)
      } else {
      }
      %mul3A_109 = arith.constant 3 : i32
      %mul3A_110 = arith.muli %scan3A_77, %mul3A_109 : i32
      %add3A_111 = arith.constant 1 : i32
      %add3A_112 = arith.addi %add3A_111, %mul3A_110 : i32
      %add3A_113 = arith.constant 1 : i32
      %add3A_114 = arith.addi %add3A_112, %add3A_113 : i32
      %mul3A_115 = arith.constant 16 : i32
      %mul3A_116 = arith.muli %add3A_114, %mul3A_115 : i32
      %add3A_117 = arith.addi %mul3A_2, %mul3A_116 : i32
      %dma_wait3A_118 = arith.constant 2 : i32
      %dma_wait3A_119 = arith.constant 0 : i32
      %dma_wait3A_120 = arith.constant 0 : i32
      %dma_wait3A_121 = tpu.memref_slice %arg4[%dma_wait3A_118, %arg1, %dma_wait3A_119, %dma_wait3A_120] : memref<3x16x16x2048xf32, #tpu.memory_space<vmem_shared>> -> memref<1x1x16x2048xf32, #tpu.memory_space<vmem_shared>>
      %dma_wait3A_122 = tpu.memref_squeeze %dma_wait3A_121 : memref<1x1x16x2048xf32, #tpu.memory_space<vmem_shared>> -> memref<16x2048xf32, #tpu.memory_space<vmem_shared>>
      %dma_wait3A_123 = arith.constant 0 : i32
      %dma_wait3A_124 = tpu.memref_slice %arg2[%add3A_117, %dma_wait3A_123] : memref<8192x2048xf32, #tpu.memory_space<hbm>> -> memref<16x2048xf32, #tpu.memory_space<hbm>>
      tpu.wait_dma2 semaphore(%arg7 : memref<!tpu.dma_semaphore, #tpu.memory_space<semaphore_mem>>) src(%dma_wait3A_124 : memref<16x2048xf32, #tpu.memory_space<hbm>>) dst(%dma_wait3A_122 : memref<16x2048xf32, #tpu.memory_space<vmem_shared>>)
      %mul3A_125 = arith.constant 16 : i32
      %mul3A_126 = arith.muli %add3A_114, %mul3A_125 : i32
      %add3A_127 = arith.addi %mul3A_2, %mul3A_126 : i32
      %dma_start3A_128 = arith.constant 2 : i32
      %dma_start3A_129 = arith.constant 0 : i32
      %dma_start3A_130 = tpu.memref_slice %arg3[%add3A_127, %dma_start3A_129] : memref<8192x2048xf32, #tpu.memory_space<hbm>> -> memref<16x2048xf32, #tpu.memory_space<hbm>>
      %dma_start3A_131 = arith.constant 0 : i32
      %dma_start3A_132 = arith.constant 0 : i32
      %dma_start3A_133 = tpu.memref_slice %arg4[%dma_start3A_128, %arg1, %dma_start3A_131, %dma_start3A_132] : memref<3x16x16x2048xf32, #tpu.memory_space<vmem_shared>> -> memref<1x1x16x2048xf32, #tpu.memory_space<vmem_shared>>
      %dma_start3A_134 = tpu.memref_squeeze %dma_start3A_133 : memref<1x1x16x2048xf32, #tpu.memory_space<vmem_shared>> -> memref<16x2048xf32, #tpu.memory_space<vmem_shared>>
      tpu.enqueue_dma source(%dma_start3A_134 : memref<16x2048xf32, #tpu.memory_space<vmem_shared>>) target(%dma_start3A_130 : memref<16x2048xf32, #tpu.memory_space<hbm>>) target_semaphore(%arg10 : memref<!tpu.dma_semaphore, #tpu.memory_space<semaphore_mem>>)
      %add3A_135 = arith.constant 3 : i32
      %add3A_136 = arith.addi %add3A_114, %add3A_135 : i32
      %sub3A_137 = arith.constant 1 : i32
      %sub3A_138 = arith.subi %add3A_136, %sub3A_137 : i32
      %lt3A_139 = arith.constant 16 : i32
      %lt3A_140 = arith.cmpi slt, %sub3A_138, %lt3A_139 : i32
      %convert_element_type3A_141 = arith.extui %lt3A_140 : i1 to i32
      %cond3A_142 = arith.constant 0 : i32
      %cond3A_143 = arith.cmpi ne, %convert_element_type3A_141, %cond3A_142 : i32
      scf.if %cond3A_143 {
        %sub3A_179 = arith.constant 1 : i32
        %sub3A_180 = arith.subi %add3A_114, %sub3A_179 : i32
        %mul3A_181 = arith.constant 16 : i32
        %mul3A_182 = arith.muli %sub3A_180, %mul3A_181 : i32
        %add3A_183 = arith.addi %mul3A_2, %mul3A_182 : i32
        %dma_wait3A_184 = arith.constant 1 : i32
        %dma_wait3A_185 = arith.constant 0 : i32
        %dma_wait3A_186 = tpu.memref_slice %arg3[%add3A_183, %dma_wait3A_185] : memref<8192x2048xf32, #tpu.memory_space<hbm>> -> memref<16x2048xf32, #tpu.memory_space<hbm>>
        %dma_wait3A_187 = arith.constant 0 : i32
        %dma_wait3A_188 = arith.constant 0 : i32
        %dma_wait3A_189 = tpu.memref_slice %arg4[%dma_wait3A_184, %arg1, %dma_wait3A_187, %dma_wait3A_188] : memref<3x16x16x2048xf32, #tpu.memory_space<vmem_shared>> -> memref<1x1x16x2048xf32, #tpu.memory_space<vmem_shared>>
        %dma_wait3A_190 = tpu.memref_squeeze %dma_wait3A_189 : memref<1x1x16x2048xf32, #tpu.memory_space<vmem_shared>> -> memref<16x2048xf32, #tpu.memory_space<vmem_shared>>
        tpu.wait_dma2 semaphore(%arg9 : memref<!tpu.dma_semaphore, #tpu.memory_space<semaphore_mem>>) src(%dma_wait3A_190 : memref<16x2048xf32, #tpu.memory_space<vmem_shared>>) dst(%dma_wait3A_186 : memref<16x2048xf32, #tpu.memory_space<hbm>>)
        %add3A_191 = arith.constant 3 : i32
        %add3A_192 = arith.addi %add3A_114, %add3A_191 : i32
        %sub3A_193 = arith.constant 1 : i32
        %sub3A_194 = arith.subi %add3A_192, %sub3A_193 : i32
        %mul3A_195 = arith.constant 16 : i32
        %mul3A_196 = arith.muli %sub3A_194, %mul3A_195 : i32
        %add3A_197 = arith.addi %mul3A_2, %mul3A_196 : i32
        %dma_start3A_198 = arith.constant 1 : i32
        %dma_start3A_199 = arith.constant 0 : i32
        %dma_start3A_200 = arith.constant 0 : i32
        %dma_start3A_201 = tpu.memref_slice %arg4[%dma_start3A_198, %arg1, %dma_start3A_199, %dma_start3A_200] : memref<3x16x16x2048xf32, #tpu.memory_space<vmem_shared>> -> memref<1x1x16x2048xf32, #tpu.memory_space<vmem_shared>>
        %dma_start3A_202 = tpu.memref_squeeze %dma_start3A_201 : memref<1x1x16x2048xf32, #tpu.memory_space<vmem_shared>> -> memref<16x2048xf32, #tpu.memory_space<vmem_shared>>
        %dma_start3A_203 = arith.constant 0 : i32
        %dma_start3A_204 = tpu.memref_slice %arg2[%add3A_197, %dma_start3A_203] : memref<8192x2048xf32, #tpu.memory_space<hbm>> -> memref<16x2048xf32, #tpu.memory_space<hbm>>
        tpu.enqueue_dma source(%dma_start3A_204 : memref<16x2048xf32, #tpu.memory_space<hbm>>) target(%dma_start3A_202 : memref<16x2048xf32, #tpu.memory_space<vmem_shared>>) target_semaphore(%arg6 : memref<!tpu.dma_semaphore, #tpu.memory_space<semaphore_mem>>)
      } else {
      }
      %mul3A_144 = arith.constant 3 : i32
      %mul3A_145 = arith.muli %scan3A_77, %mul3A_144 : i32
      %add3A_146 = arith.constant 1 : i32
      %add3A_147 = arith.addi %add3A_146, %mul3A_145 : i32
      %add3A_148 = arith.constant 2 : i32
      %add3A_149 = arith.addi %add3A_147, %add3A_148 : i32
      %mul3A_150 = arith.constant 16 : i32
      %mul3A_151 = arith.muli %add3A_149, %mul3A_150 : i32
      %add3A_152 = arith.addi %mul3A_2, %mul3A_151 : i32
      %dma_wait3A_153 = arith.constant 0 : i32
      %dma_wait3A_154 = arith.constant 0 : i32
      %dma_wait3A_155 = arith.constant 0 : i32
      %dma_wait3A_156 = tpu.memref_slice %arg4[%dma_wait3A_153, %arg1, %dma_wait3A_154, %dma_wait3A_155] : memref<3x16x16x2048xf32, #tpu.memory_space<vmem_shared>> -> memref<1x1x16x2048xf32, #tpu.memory_space<vmem_shared>>
      %dma_wait3A_157 = tpu.memref_squeeze %dma_wait3A_156 : memref<1x1x16x2048xf32, #tpu.memory_space<vmem_shared>> -> memref<16x2048xf32, #tpu.memory_space<vmem_shared>>
      %dma_wait3A_158 = arith.constant 0 : i32
      %dma_wait3A_159 = tpu.memref_slice %arg2[%add3A_152, %dma_wait3A_158] : memref<8192x2048xf32, #tpu.memory_space<hbm>> -> memref<16x2048xf32, #tpu.memory_space<hbm>>
      tpu.wait_dma2 semaphore(%arg5 : memref<!tpu.dma_semaphore, #tpu.memory_space<semaphore_mem>>) src(%dma_wait3A_159 : memref<16x2048xf32, #tpu.memory_space<hbm>>) dst(%dma_wait3A_157 : memref<16x2048xf32, #tpu.memory_space<vmem_shared>>)
      %mul3A_160 = arith.constant 16 : i32
      %mul3A_161 = arith.muli %add3A_149, %mul3A_160 : i32
      %add3A_162 = arith.addi %mul3A_2, %mul3A_161 : i32
      %dma_start3A_163 = arith.constant 0 : i32
      %dma_start3A_164 = arith.constant 0 : i32
      %dma_start3A_165 = tpu.memref_slice %arg3[%add3A_162, %dma_start3A_164] : memref<8192x2048xf32, #tpu.memory_space<hbm>> -> memref<16x2048xf32, #tpu.memory_space<hbm>>
      %dma_start3A_166 = arith.constant 0 : i32
      %dma_start3A_167 = arith.constant 0 : i32
      %dma_start3A_168 = tpu.memref_slice %arg4[%dma_start3A_163, %arg1, %dma_start3A_166, %dma_start3A_167] : memref<3x16x16x2048xf32, #tpu.memory_space<vmem_shared>> -> memref<1x1x16x2048xf32, #tpu.memory_space<vmem_shared>>
      %dma_start3A_169 = tpu.memref_squeeze %dma_start3A_168 : memref<1x1x16x2048xf32, #tpu.memory_space<vmem_shared>> -> memref<16x2048xf32, #tpu.memory_space<vmem_shared>>
      tpu.enqueue_dma source(%dma_start3A_169 : memref<16x2048xf32, #tpu.memory_space<vmem_shared>>) target(%dma_start3A_165 : memref<16x2048xf32, #tpu.memory_space<hbm>>) target_semaphore(%arg8 : memref<!tpu.dma_semaphore, #tpu.memory_space<semaphore_mem>>)
      %add3A_170 = arith.constant 3 : i32
      %add3A_171 = arith.addi %add3A_149, %add3A_170 : i32
      %sub3A_172 = arith.constant 1 : i32
      %sub3A_173 = arith.subi %add3A_171, %sub3A_172 : i32
      %lt3A_174 = arith.constant 16 : i32
      %lt3A_175 = arith.cmpi slt, %sub3A_173, %lt3A_174 : i32
      %convert_element_type3A_176 = arith.extui %lt3A_175 : i1 to i32
      %cond3A_177 = arith.constant 0 : i32
      %cond3A_178 = arith.cmpi ne, %convert_element_type3A_176, %cond3A_177 : i32
      scf.if %cond3A_178 {
        %sub3A_179 = arith.constant 1 : i32
        %sub3A_180 = arith.subi %add3A_149, %sub3A_179 : i32
        %mul3A_181 = arith.constant 16 : i32
        %mul3A_182 = arith.muli %sub3A_180, %mul3A_181 : i32
        %add3A_183 = arith.addi %mul3A_2, %mul3A_182 : i32
        %dma_wait3A_184 = arith.constant 2 : i32
        %dma_wait3A_185 = arith.constant 0 : i32
        %dma_wait3A_186 = tpu.memref_slice %arg3[%add3A_183, %dma_wait3A_185] : memref<8192x2048xf32, #tpu.memory_space<hbm>> -> memref<16x2048xf32, #tpu.memory_space<hbm>>
        %dma_wait3A_187 = arith.constant 0 : i32
        %dma_wait3A_188 = arith.constant 0 : i32
        %dma_wait3A_189 = tpu.memref_slice %arg4[%dma_wait3A_184, %arg1, %dma_wait3A_187, %dma_wait3A_188] : memref<3x16x16x2048xf32, #tpu.memory_space<vmem_shared>> -> memref<1x1x16x2048xf32, #tpu.memory_space<vmem_shared>>
        %dma_wait3A_190 = tpu.memref_squeeze %dma_wait3A_189 : memref<1x1x16x2048xf32, #tpu.memory_space<vmem_shared>> -> memref<16x2048xf32, #tpu.memory_space<vmem_shared>>
        tpu.wait_dma2 semaphore(%arg10 : memref<!tpu.dma_semaphore, #tpu.memory_space<semaphore_mem>>) src(%dma_wait3A_190 : memref<16x2048xf32, #tpu.memory_space<vmem_shared>>) dst(%dma_wait3A_186 : memref<16x2048xf32, #tpu.memory_space<hbm>>)
        %add3A_191 = arith.constant 3 : i32
        %add3A_192 = arith.addi %add3A_149, %add3A_191 : i32
        %sub3A_193 = arith.constant 1 : i32
        %sub3A_194 = arith.subi %add3A_192, %sub3A_193 : i32
        %mul3A_195 = arith.constant 16 : i32
        %mul3A_196 = arith.muli %sub3A_194, %mul3A_195 : i32
        %add3A_197 = arith.addi %mul3A_2, %mul3A_196 : i32
        %dma_start3A_198 = arith.constant 2 : i32
        %dma_start3A_199 = arith.constant 0 : i32
        %dma_start3A_200 = arith.constant 0 : i32
        %dma_start3A_201 = tpu.memref_slice %arg4[%dma_start3A_198, %arg1, %dma_start3A_199, %dma_start3A_200] : memref<3x16x16x2048xf32, #tpu.memory_space<vmem_shared>> -> memref<1x1x16x2048xf32, #tpu.memory_space<vmem_shared>>
        %dma_start3A_202 = tpu.memref_squeeze %dma_start3A_201 : memref<1x1x16x2048xf32, #tpu.memory_space<vmem_shared>> -> memref<16x2048xf32, #tpu.memory_space<vmem_shared>>
        %dma_start3A_203 = arith.constant 0 : i32
        %dma_start3A_204 = tpu.memref_slice %arg2[%add3A_197, %dma_start3A_203] : memref<8192x2048xf32, #tpu.memory_space<hbm>> -> memref<16x2048xf32, #tpu.memory_space<hbm>>
        tpu.enqueue_dma source(%dma_start3A_204 : memref<16x2048xf32, #tpu.memory_space<hbm>>) target(%dma_start3A_202 : memref<16x2048xf32, #tpu.memory_space<vmem_shared>>) target_semaphore(%arg7 : memref<!tpu.dma_semaphore, #tpu.memory_space<semaphore_mem>>)
      } else {
      }
    }
    %scan3A_49 = arith.constant 5 : i32
    %add3A_50 = arith.constant 208 : i32
    %add3A_51 = arith.addi %mul3A_2, %add3A_50 : i32
    %dma_wait3A_52 = arith.constant 1 : i32
    %dma_wait3A_53 = arith.constant 0 : i32
    %dma_wait3A_54 = tpu.memref_slice %arg3[%add3A_51, %dma_wait3A_53] : memref<8192x2048xf32, #tpu.memory_space<hbm>> -> memref<16x2048xf32, #tpu.memory_space<hbm>>
    %dma_wait3A_55 = arith.constant 0 : i32
    %dma_wait3A_56 = arith.constant 0 : i32
    %dma_wait3A_57 = tpu.memref_slice %arg4[%dma_wait3A_52, %arg1, %dma_wait3A_55, %dma_wait3A_56] : memref<3x16x16x2048xf32, #tpu.memory_space<vmem_shared>> -> memref<1x1x16x2048xf32, #tpu.memory_space<vmem_shared>>
    %dma_wait3A_58 = tpu.memref_squeeze %dma_wait3A_57 : memref<1x1x16x2048xf32, #tpu.memory_space<vmem_shared>> -> memref<16x2048xf32, #tpu.memory_space<vmem_shared>>
    tpu.wait_dma2 semaphore(%arg9 : memref<!tpu.dma_semaphore, #tpu.memory_space<semaphore_mem>>) src(%dma_wait3A_58 : memref<16x2048xf32, #tpu.memory_space<vmem_shared>>) dst(%dma_wait3A_54 : memref<16x2048xf32, #tpu.memory_space<hbm>>)
    %add3A_59 = arith.constant 224 : i32
    %add3A_60 = arith.addi %mul3A_2, %add3A_59 : i32
    %dma_wait3A_61 = arith.constant 2 : i32
    %dma_wait3A_62 = arith.constant 0 : i32
    %dma_wait3A_63 = tpu.memref_slice %arg3[%add3A_60, %dma_wait3A_62] : memref<8192x2048xf32, #tpu.memory_space<hbm>> -> memref<16x2048xf32, #tpu.memory_space<hbm>>
    %dma_wait3A_64 = arith.constant 0 : i32
    %dma_wait3A_65 = arith.constant 0 : i32
    %dma_wait3A_66 = tpu.memref_slice %arg4[%dma_wait3A_61, %arg1, %dma_wait3A_64, %dma_wait3A_65] : memref<3x16x16x2048xf32, #tpu.memory_space<vmem_shared>> -> memref<1x1x16x2048xf32, #tpu.memory_space<vmem_shared>>
    %dma_wait3A_67 = tpu.memref_squeeze %dma_wait3A_66 : memref<1x1x16x2048xf32, #tpu.memory_space<vmem_shared>> -> memref<16x2048xf32, #tpu.memory_space<vmem_shared>>
    tpu.wait_dma2 semaphore(%arg10 : memref<!tpu.dma_semaphore, #tpu.memory_space<semaphore_mem>>) src(%dma_wait3A_67 : memref<16x2048xf32, #tpu.memory_space<vmem_shared>>) dst(%dma_wait3A_63 : memref<16x2048xf32, #tpu.memory_space<hbm>>)
    %add3A_68 = arith.constant 240 : i32
    %add3A_69 = arith.addi %mul3A_2, %add3A_68 : i32
    %dma_wait3A_70 = arith.constant 0 : i32
    %dma_wait3A_71 = arith.constant 0 : i32
    %dma_wait3A_72 = tpu.memref_slice %arg3[%add3A_69, %dma_wait3A_71] : memref<8192x2048xf32, #tpu.memory_space<hbm>> -> memref<16x2048xf32, #tpu.memory_space<hbm>>
    %dma_wait3A_73 = arith.constant 0 : i32
    %dma_wait3A_74 = arith.constant 0 : i32
    %dma_wait3A_75 = tpu.memref_slice %arg4[%dma_wait3A_70, %arg1, %dma_wait3A_73, %dma_wait3A_74] : memref<3x16x16x2048xf32, #tpu.memory_space<vmem_shared>> -> memref<1x1x16x2048xf32, #tpu.memory_space<vmem_shared>>
    %dma_wait3A_76 = tpu.memref_squeeze %dma_wait3A_75 : memref<1x1x16x2048xf32, #tpu.memory_space<vmem_shared>> -> memref<16x2048xf32, #tpu.memory_space<vmem_shared>>
    tpu.wait_dma2 semaphore(%arg8 : memref<!tpu.dma_semaphore, #tpu.memory_space<semaphore_mem>>) src(%dma_wait3A_76 : memref<16x2048xf32, #tpu.memory_space<vmem_shared>>) dst(%dma_wait3A_72 : memref<16x2048xf32, #tpu.memory_space<hbm>>)
    return
  }
}

</mosaic_0001>

<sc_bundles>
// kernel: kernel.3.cloned.1.call-start
scs
__scs_entry_jumppad:
0x0: {  	(pc) =	sbr.rel $0x88, $3  }
0x1: {  	(tag) =	ssettag $0x0;
	lr =	simm.s32 $0x1  }
0x2: {  	[smem:$0x3FA0] =	sst lr;
	_ =	strace $0xD0000000  }
0x3: {  	_ = 	snop  }
0x4: {  	_ = 	snop  }
0x5: {  	_ = 	snop  }
0x6: {  	_ = 	snop  }
0x7: {  	_ = 	snop  }
__scs_overlays_trampoline_lowered:
0x8: {  	[smem:$0x3FAF] =	sst s0  }
0x9: {  	[smem:$0x3FB0] =	sst s1  }
0xa: {  	[smem:$0x3FB1] =	sst s2  }
0xb: {  	[smem:$0x3FB2] =	sst s3  }
0xc: {  	[smem:$0x3FB3] =	sst s4  }
0xd: {  	[smem:$0x3FB4] =	sst s5  }
0xe: {  	[smem:$0x3FB5] =	sst s6  }
0xf: {  	[smem:$0x3FB6] =	sst s7  }
0x10: {  	[smem:$0x3FB7] =	sst s8  }
0x11: {  	[smem:$0x3FB8] =	sst s9;
	s0 =	simm.s32 @!p0 $0x0  }
0x12: {  	s1 =	sld [smem:$0x3F9E];
	s0 =	simm.s32 @p0 $0x1  }
0x13: {  	[smem:$0x3FB9] =	sst s0;
	s0 =	simm.s32 @!p1 $0x0  }
0x14: {  	s2 =	sld [smem:$0x3F9D];
	s0 =	simm.s32 @p1 $0x1  }
0x15: {  	[smem:$0x3FBA] =	sst s0;
	s0 =	simm.s32 @!p2 $0x0  }
0x16: {  	s3 =	sld [smem:$0x3FDB];
	s0 =	simm.s32 @p2 $0x1  }
0x17: {  	s4 =	simm.s32 $0x1BF5;
	[smem:$0x3FBC] =	sst s0  }
0x18: {  	s0 =	sld [smem:$0x3F9F];
	_ =	swait.ge [sflag:s4], $0x0  }
0x19: {  	s7 =	sld [smem:$0x3FA0]  }
0x1a: {  	s8 =	sadd.s32 $0xFFFFE003, lr  }
0x1b: {  	s9 =	sadd.s32 $0xFFFFFEF7, lr;
	s5 =	simm.s32 $0xFFFFFFFF;
	p2 =	slt.u32 s8, $0xFFFFF086  }
0x1c: {  	p1 =	slt.u32 s9, $0xF7A;
	s5 =	simm.s32 @!p2 $0x0  }
0x1d: {  	s5 =	simm.s32 @p1 $0x1;
	p0 =	seq.s32 s7, s2  }
0x1e: {  	s7 =	smul.u32 @!p0 $0xF7A, s2;
	p2 =	seq.s32 @!p0 s5, $0x0  }
0x1f: {  	s9 =	smul.u32 $0xF7A, s1;
	s8 =	simm.s32 @!p0 $0x1BF5;
	p2 =	por !p2, p0  }
0x20: {  	[sflag:s8] =	ssyncset.s32 @!p0 $0xFFFFF086;
	s6 =	sadd.s32 @!p0 s3, s7;
	s7 =	simm.s32 @!p0 $0x108  }
0x21: {  	s3 =	sadd.s32 s3, s9;
	s6 =	sadd.s32 @!p0 $0x88, s6;
	s7 =	simm.s32 @p2 $0x1082  }
0x22: {  	[simem:s7], [sflag:s8] =	dma.local @!p0 [hbm:s6], $0xF7A  }
0x23: {  	s9 =	sor.u32 $0xD0000000, s2;
	s6 =	simm.s32 $0x108;
	_ =	swait.ge @!p0 [sflag:s8], $0x0  }
0x24: {  	s3 =	sadd.s32 $0x88, s3;
	s6 =	simm.s32 @!p1 $0x1082;
	[sflag:s4] =	ssyncset.s32 $0xFFFFF086  }
0x25: {  	[simem:s6], [sflag:s4] =	dma.local [hbm:s3], $0xF7A  }
0x26: {  	[smem:$0x3FA0] =	sst s1;
	(tag) =	ssettag s2;
	_ =	strace s9  }
0x27: {  	s1 =	sld [smem:$0x3FB0]  }
0x28: {  	s2 =	sld [smem:$0x3FB1]  }
0x29: {  	s4 =	sld [smem:$0x3FB3]  }
0x2a: {  	p0 =	seq.s32 s5, $0x0;
	s5 =	sld [smem:$0x3FB4]  }
0x2b: {  	s6 =	sld [smem:$0x3FB5]  }
0x2c: {  	s7 =	sld [smem:$0x3FB6]  }
0x2d: {  	s3 =	simm.s32 $0x108;
	s8 =	sld [smem:$0x3FB7]  }
0x2e: {  	s3 =	simm.s32 @!p0 $0x1082;
	s9 =	sld [smem:$0x3FB8]  }
0x2f: {  	lr =	sadd.s32 s0, s3;
	s0 =	sld [smem:$0x3FAF]  }
0x30: {  	s3 =	sld [smem:$0x3FB2]  }
0x31: {  	[smem:$0x3FBB] =	sst s10  }
0x32: {  	s10 =	sld [smem:$0x3FB9];
	_ =	sdelay $0x3  }
0x33: {  	p0 =	seq.s32 s10, $0x1;
	s10 =	sld [smem:$0x3FBB];
	_ =	sdelay $0x3  }
0x34: {  	[smem:$0x3FBB] =	sst s10  }
0x35: {  	s10 =	sld [smem:$0x3FBA];
	_ =	sdelay $0x3  }
0x36: {  	p1 =	seq.s32 s10, $0x1;
	s10 =	sld [smem:$0x3FBB];
	_ =	sdelay $0x3  }
0x37: {  	[smem:$0x3FBB] =	sst s10  }
0x38: {  	s10 =	sld [smem:$0x3FBC]  }
0x39: {  	_ = 	snop;
	(pc) =	sbr.ind lr, $3  }
0x3a: {  	_ = 	snop  }
0x3b: {  	_ = 	snop  }
0x3c: {  	p2 =	seq.s32 s10, $0x1;
	s10 =	sld [smem:$0x3FBB]  }
0x3d: {  	_ =	shalt  }
0x3e: {  	_ =	shalt  }
0x3f: {  	_ =	shalt  }
0x40: {  	_ =	shalt  }
0x41: {  	_ =	shalt  }
0x42: {  	_ =	shalt  }
0x43: {  	_ =	shalt  }
0x44: {  	_ =	shalt  }
0x45: {  	_ =	shalt  }
0x46: {  	_ =	shalt  }
0x47: {  	_ =	shalt  }
0x48: {  	_ =	shalt  }
0x49: {  	_ =	shalt  }
0x4a: {  	_ =	shalt  }
0x4b: {  	_ =	shalt  }
0x4c: {  	_ =	shalt  }
0x4d: {  	_ =	shalt  }
0x4e: {  	_ =	shalt  }
0x4f: {  	_ =	shalt  }
0x50: {  	_ =	shalt  }
0x51: {  	_ =	shalt  }
0x52: {  	_ =	shalt  }
0x53: {  	_ =	shalt  }
0x54: {  	_ =	shalt  }
0x55: {  	_ =	shalt  }
0x56: {  	_ =	shalt  }
0x57: {  	_ =	shalt  }
0x58: {  	_ =	shalt  }
0x59: {  	_ =	shalt  }
0x5a: {  	_ =	shalt  }
0x5b: {  	_ =	shalt  }
0x5c: {  	_ =	shalt  }
0x5d: {  	_ =	shalt  }
0x5e: {  	_ =	shalt  }
0x5f: {  	_ =	shalt  }
0x60: {  	_ =	shalt  }
0x61: {  	_ =	shalt  }
0x62: {  	_ =	shalt  }
0x63: {  	_ =	shalt  }
0x64: {  	_ =	shalt  }
0x65: {  	_ =	shalt  }
0x66: {  	_ =	shalt  }
0x67: {  	_ =	shalt  }
0x68: {  	_ =	shalt  }
0x69: {  	_ =	shalt  }
0x6a: {  	_ =	shalt  }
0x6b: {  	_ =	shalt  }
0x6c: {  	_ =	shalt  }
0x6d: {  	_ =	shalt  }
0x6e: {  	_ =	shalt  }
0x6f: {  	_ =	shalt  }
0x70: {  	_ =	shalt  }
0x71: {  	_ =	shalt  }
0x72: {  	_ =	shalt  }
0x73: {  	_ =	shalt  }
0x74: {  	_ =	shalt  }
0x75: {  	_ =	shalt  }
0x76: {  	_ =	shalt  }
0x77: {  	_ =	shalt  }
0x78: {  	_ =	shalt  }
0x79: {  	_ =	shalt  }
0x7a: {  	_ =	shalt  }
0x7b: {  	_ =	shalt  }
0x7c: {  	_ =	shalt  }
0x7d: {  	_ =	shalt  }
0x7e: {  	_ =	shalt  }
0x7f: {  	_ =	shalt  }
0x80: {  	_ =	shalt  }
0x81: {  	_ =	shalt  }
0x82: {  	_ =	shalt  }
0x83: {  	_ =	shalt  }
0x84: {  	_ =	shalt  }
0x85: {  	_ =	shalt  }
0x86: {  	_ =	shalt  }
0x87: {  	_ =	shalt  }
.Lfunc_end0:
.L_simem_size_0:
called_computation_lowered:
.L_overlay_start_0:
0x88: {  	s2 =	sld [smem:$0x3FD9]  }
0x89: {  	s3 =	sld [smem:$0x3FFE];
	_ =	sdelay $0x1  }
0x8a: {  	s1 =	srdreg.scid  }
0x8b: {  	s0 =	sand.u32 $0x1, s1  }
0x8c: {  	s18 =	sshll.u32 s0, $0xA;
	s2 =	sadd.s32 s3, s2  }
0x8d: {  	s2 =	sadd.s32 s2, s18  }
0x8e: {  	[smem:$0x3FC7] =	sst s2  }
0x8f: {  	_ = 	snop  }
0x90: {  	s2 =	sld [smem:$0x3FC9]  }
0x91: {  	s19 =	sld [smem:$0x3FD0];
	(tm) =	ssettm $0x1  }
0x92: {  	s4 =	sld [smem:$0x3FFB];
	_ =	sdelay $0x3  }
0x93: {  	_ =	strace s4  }
0x94: {  	s4 =	sld [smem:$0x3FFC];
	_ =	sdelay $0x3  }
0x95: {  	_ =	strace s4  }
0x96: {  	s4 =	sld [smem:$0x3FFD];
	_ =	sdelay $0x3  }
0x97: {  	_ =	strace s4  }
0x98: {  	_ =	strace $0x8FFFFFFF  }
0x99: {  	s20 =	sld [smem:$0x3FDB];
	_ =	sdelay $0x1  }
0x9a: {  	s5 =	simm.s32 $_scs_section_size  }
0x9b: {  	s6 =	simm.s32 $_size__tile_overlayer_lowered;
	s7 =	simm.s32 $_tile_overlayer_lowered  }
0x9c: {  	s23 =	simm.s32 $0x1BFF;
	s22 =	sshll.u32 s7, $0x1;
	s4 =	sadd.s32 s5, s20  }
0x9d: {  	s8 =	simm.s32 $0x0;
	s21 =	sshll.u32 s6, $0x1;
	s6 =	sadd.s32 s22, s4  }
0x9e: {  	[timem:s8], [sflag:s23] =	dma.local [hbm:s6], s21  }
0x9f: {  	_ =	swait.ge [sflag:s23], s21  }
0xa0: {  	s5 =	ssub.s32 $0x0, s21;
	[sflag:s23] =	ssyncset.done $0x0  }
0xa1: {  	[sflag:s23] =	ssyncadd.s32 s5;
	_ =	sdelay $0x1  }
0xa2: {  	s24 =	simm.s32 $0x1B8B  }
0xa3: {  	_ =	swait.ge [sflag:s24], $0x1  }
0xa4: {  	[sflag:s24] =	ssyncset.done $0x0  }
0xa5: {  	s25 =	simm.s32 $0x1B8E;
	[sflag:s24] =	ssyncadd.s32 $0xFFFFFFFF  }
0xa6: {  	s26 =	simm.s32 $execute0_lowered;
	[smem:$0x3FD2] =	sst s25  }
0xa7: {  	s5 =	sshll.u32 s26, $0x1;
	_ =	strace $0x80000046;
	[dreg:$0x1] =	wrdreg $0xFFFFFFFF  }
0xa8: {  	s28 =	simm.s32 $_size_execute0_lowered;
	s4 =	sadd.s32 s4, s5;
	[dreg:$0x0] =	wrdreg $0x0  }
0xa9: {  	s5 =	sshll.u32 s28, $0x1;
	[dreg:$0x2] =	wrdreg s4  }
0xaa: {  	[dreg:$0x3] =	wrdreg s5  }
0xab: {  	[dreg:$0x4] =	wrdreg $0xC0  }
0xac: {  	_ =	task [dreg:s8], $0x5FFFF  }
0xad: {  	[dreg:$0x1] =	wrdreg $0xFFFFFFFF  }
0xae: {  	[dreg:$0x0] =	wrdreg $0x60  }
0xaf: {  	[dreg:$0x2] =	wrdreg s2  }
0xb0: {  	[dreg:$0x3] =	wrdreg s19  }
0xb1: {  	[dreg:$0x4] =	wrdreg $0x0  }
0xb2: {  	[dreg:$0x5] =	wrdreg $0x9  }
0xb3: {  	_ =	task.clear_ibuf [dreg:s8], $0x6FFFF;
	_ =	strace $0x90000046  }
0xb4: {  	s29 =	simm.s32 $0x9;
	_ =	strace $0x80000048  }
0xb5: {  	_ =	swait.ge [sflag:s29], $0x1  }
0xb6: {  	[sflag:s29] =	ssyncadd.s32 $0xFFFFFFFF  }
0xb7: {  	_ =	strace $0x90000048  }
0xb8: {  	_ =	sfence  }
0xb9: {  	s30 =	sld [smem:$0x0];
	_ =	sdelay $0x2  }
0xba: {  	s31 =	sshll.u32 s1, $0xD;
	s1 =	sshrl.u32 s1, $0x2  }
0xbb: {  	s3 =	sand.u32 $0x4000, s31;
	s1 =	sadd.s32 s1, s30  }
0xbc: {  	s0 =	sor.u32 s3, s0;
	s1 =	sshll.u32 s1, $0x11  }
0xbd: {  	s0 =	sor.u32 s1, s0  }
0xbe: {  	s0 =	sadd.s32 $0x8F2B, s0  }
0xbf: {  	[sflag:s0] =	ssyncadd.remote.s32 $0x1  }
0xc0: {  	_ =	sfence.sel $0xFFFF  }
0xc1: {  	[dreg:$0x0] =	wrdreg $0xFFFFFFFF;
	(pc) =	sbr.abs _section_cstart, $3  }
0xc2: {  	[dreg:$0x1] =	wrdreg $0xFFFFFFFF  }
0xc3: {  	_ =	task.clear_ibuf [dreg:s8], $0x2FFFF;
	_ =	strace $0x9FFFFFFF  }
0xc4: {  	(tm) =	ssettm $0x7FFFFFFF  }
0xc5: {  	_ =	shalt  }
tec
execute0_lowered:
.L_overlay_start_1:
0x0: {  	(tag) =	ssettag $0x1  }
0x1: {  	s0 =	rddreg [dreg:$0x0]  }
0x2: {  	s2 =	rddreg [dreg:$0x1]  }
0x3: {  	s4 =	rddreg [dreg:$0x2];
	s3 =	srdreg.scid  }
0x4: {  	s1 =	simm.s32 $0x0;
	s10 =	stileid.u32;
	s22 =	simm.s32 $0x1  }
0x5: {  	s28 =	simm.s32 $0x6;
	s6 =	sand.u32 $0x1, s3;
	[smem:$0x7FF] =	sst s1  }
0x6: {  	s9 =	sshll.u32 s10, $0x11;
	s26 =	sshll.u32 s10, $0x14;
	s3 =	ssub.s32 $0x2, s6  }
0x7: {  	_ =	strace $0x80000047;
	s19 =	sshll.u32 s6, $0x10;
	s23 =	sshrl.u32 s9, $0x2  }
0x8: {  	s6 =	sshll.u32 s6, $0x13;
	s30 =	sadd.s32 s9, s0;
	s5 =	sshrl.u32 s3, $0x1  }
0x9: {  	s11 =	sor.u32 s19, s9;
	s20 =	sadd.s32 s23, s4;
	s6 =	sor.u32 s6, s26  }
0xa: {  	s31 =	sadd.s32 s19, s30;
	s23 =	simm.s32 $0x2;
	s26 =	simm.s32 $0x5  }
0xb: {  	s7 =	ssub.s32 s3, s5;
	s3 =	sshll.u32 s10, $0x6;
	s4 =	sadd.s32 s0, s11  }
0xc: {  	s8 =	sadd.s32 $0x80000, s20;
	s12 =	sadd.s32 $0x100000, s20;
	s15 =	sor.u32 $0xF000, s11  }
0xd: {  	s29 =	sor.u32 $0x28000, s6;
	s6 =	sor.u32 $0x20000, s6;
	s20 =	sshrl.u32 s20, $0x3  }
0xe: {  	s5 =	sor.u32 $0x1C01, s3;
	[dreg:$0x4] =	wrdreg s8;
	s24 =	sadd.s32 $0x1000, s4  }
0xf: {  	s8 =	sadd.s32 s2, s11;
	[dreg:$0x6] =	wrdreg s12;
	s25 =	sadd.s32 $0x2000, s4  }
0x10: {  	s7 =	smax.u32 s7, $0x1;
	s13 =	sadd.s32 s0, s15;
	[dreg:$0x5] =	wrdreg s24  }
0x11: {  	s15 =	sadd.s32 s2, s15;
	s2 =	sadd.s32 s9, s2;
	[dreg:$0x7] =	wrdreg s25  }
0x12: {  	s6 =	sshrl.u32 s6, $0x3;
	s21 =	sor.u32 $0x1C02, s3;
	[dreg:$0x8] =	wrdreg s7  }
0x13: {  	s12 =	sadd.s32 $0xD000, s8;
	s14 =	sadd.s32 $0xE000, s8;
	s16 =	sadd.s32 s19, s2  }
0x14: {  	s2 =	sshrl.u32 s29, $0x3;
	s18 =	sadd.s32 s6, s0;
	s19 =	sadd.s32 $0x3000, s31  }
0x15: {  	s24 =	simm.s32 $0x4;
	s25 =	simm.s32 $0x3;
	s17 =	sadd.s32 s2, s0  }
.LBB2_1:
0x16: {  	[spmem:s20], [sflag:s5] =	dma.local [hbm:s4], $0x1000  }
0x17: {  	s0 =	rddreg [dreg:$0x4]  }
0x18: {  	s7 =	rddreg [dreg:$0x5];
	s30 =	sshrl.u32 s0, $0x3  }
0x19: {  	[spmem:s30], [sflag:s21] =	dma.local [hbm:s7], $0x1000  }
0x1a: {  	_ =	swait.ge [sflag:s22], $0x1000  }
0x1b: {  	[sflag:s22] =	ssyncset.done $0x0  }
0x1c: {  	s29 =	sor.u32 $0x1C04, s3;
	[sflag:s22] =	ssyncadd.s32 $0xFFFFF000  }
0x1d: {  	[hbm:s8], [sflag:s29] =	dma.local [spmem:s20], $0x1000  }
0x1e: {  	s2 =	rddreg [dreg:$0x6]  }
0x1f: {  	s0 =	sor.u32 $0x1C03, s3;
	s9 =	rddreg [dreg:$0x7];
	s31 =	sshrl.u32 s2, $0x3  }
0x20: {  	[spmem:s31], [sflag:s0] =	dma.local [hbm:s9], $0x1000  }
0x21: {  	_ =	swait.ge [sflag:s23], $0x1000  }
0x22: {  	s7 =	sadd.s32 $0x0, s16;
	[sflag:s23] =	ssyncset.done $0x0  }
0x23: {  	s6 =	sadd.s32 $0x1000, s7;
	s2 =	sor.u32 $0x1C05, s3;
	[sflag:s23] =	ssyncadd.s32 $0xFFFFF000  }
0x24: {  	[hbm:s6], [sflag:s2] =	dma.local [spmem:s30], $0x1000  }
0x25: {  	_ =	swait.ge [sflag:s24], $0x1000  }
0x26: {  	[sflag:s24] =	ssyncset.done $0x0  }
0x27: {  	s10 =	sadd.s32 $0x0, s19;
	[sflag:s24] =	ssyncadd.s32 $0xFFFFF000  }
0x28: {  	[spmem:s20], [sflag:s5] =	dma.local [hbm:s10], $0x1000  }
0x29: {  	_ =	swait.ge [sflag:s25], $0x1000  }
0x2a: {  	[sflag:s25] =	ssyncset.done $0x0  }
0x2b: {  	s9 =	sadd.s32 $0x2000, s7;
	s6 =	sor.u32 $0x1C06, s3;
	[sflag:s25] =	ssyncadd.s32 $0xFFFFF000  }
0x2c: {  	[hbm:s9], [sflag:s6] =	dma.local [spmem:s31], $0x1000  }
0x2d: {  	_ =	swait.ge [sflag:s26], $0x1000  }
0x2e: {  	[sflag:s26] =	ssyncset.done $0x0  }
0x2f: {  	s11 =	sadd.s32 $0x0, s18;
	[sflag:s26] =	ssyncadd.s32 $0xFFFFF000  }
0x30: {  	[spmem:s30], [sflag:s21] =	dma.local [hbm:s11], $0x1000  }
0x31: {  	_ =	swait.ge [sflag:s22], $0x1000  }
0x32: {  	[sflag:s22] =	ssyncset.done $0x0  }
0x33: {  	s7 =	sadd.s32 $0x3000, s7;
	[sflag:s22] =	ssyncadd.s32 $0xFFFFF000  }
0x34: {  	[hbm:s7], [sflag:s29] =	dma.local [spmem:s20], $0x1000  }
0x35: {  	_ =	swait.ge [sflag:s28], $0x1000  }
0x36: {  	[sflag:s28] =	ssyncset.done $0x0  }
0x37: {  	s9 =	sadd.s32 $0x0, s17;
	s7 =	simm.s32 $0x3000;
	[sflag:s28] =	ssyncadd.s32 $0xFFFFF000  }
.LBB2_2:
0x38: {  	[spmem:s31], [sflag:s0] =	dma.local [hbm:s9], $0x1000  }
0x39: {  	s9 =	smov.u32 s7  }
0x3a: {  	p0 =	sne.s32 s7, $0x9000;
	s7 =	sadd.s32 $0x3000, s7;
	_ =	swait.ge [sflag:s23], $0x1000  }
0x3b: {  	s10 =	sadd.s32 s9, s16;
	[sflag:s23] =	ssyncset.done $0x0  }
0x3c: {  	s11 =	sadd.s32 $0x1000, s10;
	[sflag:s23] =	ssyncadd.s32 $0xFFFFF000  }
0x3d: {  	[hbm:s11], [sflag:s2] =	dma.local [spmem:s30], $0x1000  }
0x3e: {  	_ =	swait.ge [sflag:s24], $0x1000  }
0x3f: {  	[sflag:s24] =	ssyncset.done $0x0  }
0x40: {  	s11 =	sadd.s32 s9, s19;
	[sflag:s24] =	ssyncadd.s32 $0xFFFFF000  }
0x41: {  	[spmem:s20], [sflag:s5] =	dma.local [hbm:s11], $0x1000  }
0x42: {  	_ =	swait.ge [sflag:s25], $0x1000  }
0x43: {  	[sflag:s25] =	ssyncset.done $0x0  }
0x44: {  	s11 =	sadd.s32 $0x2000, s10;
	[sflag:s25] =	ssyncadd.s32 $0xFFFFF000  }
0x45: {  	[hbm:s11], [sflag:s6] =	dma.local [spmem:s31], $0x1000  }
0x46: {  	_ =	swait.ge [sflag:s26], $0x1000  }
0x47: {  	[sflag:s26] =	ssyncset.done $0x0  }
0x48: {  	s11 =	sadd.s32 s9, s18;
	[sflag:s26] =	ssyncadd.s32 $0xFFFFF000  }
0x49: {  	[spmem:s30], [sflag:s21] =	dma.local [hbm:s11], $0x1000  }
0x4a: {  	_ =	swait.ge [sflag:s22], $0x1000  }
0x4b: {  	[sflag:s22] =	ssyncset.done $0x0  }
.Ltmp0:
0x4c: {  	s10 =	sadd.s32 $0x3000, s10;
	[sflag:s22] =	ssyncadd.s32 $0xFFFFF000;
	(pc) =	sbr.rel @p0 .LBB2_2-.Ltmp0, $4  }
0x4d: {  	[hbm:s10], [sflag:s29] =	dma.local [spmem:s20], $0x1000  }
0x4e: {  	_ =	swait.ge [sflag:s28], $0x1000  }
0x4f: {  	[sflag:s28] =	ssyncset.done $0x0  }
0x50: {  	s9 =	sadd.s32 s9, s17;
	[sflag:s28] =	ssyncadd.s32 $0xFFFFF000  }
0x51: {  	[spmem:s31], [sflag:s0] =	dma.local [hbm:s9], $0x1000  }
0x52: {  	_ =	swait.ge [sflag:s23], $0x1000  }
0x53: {  	[sflag:s23] =	ssyncset.done $0x0  }
0x54: {  	[sflag:s23] =	ssyncadd.s32 $0xFFFFF000  }
0x55: {  	[hbm:s12], [sflag:s2] =	dma.local [spmem:s30], $0x1000  }
0x56: {  	_ =	swait.ge [sflag:s24], $0x1000  }
0x57: {  	[sflag:s24] =	ssyncset.done $0x0  }
0x58: {  	[sflag:s24] =	ssyncadd.s32 $0xFFFFF000  }
0x59: {  	[spmem:s20], [sflag:s5] =	dma.local [hbm:s13], $0x1000  }
0x5a: {  	_ =	swait.ge [sflag:s25], $0x1000  }
0x5b: {  	[sflag:s25] =	ssyncset.done $0x0  }
0x5c: {  	[sflag:s25] =	ssyncadd.s32 $0xFFFFF000  }
0x5d: {  	[hbm:s14], [sflag:s6] =	dma.local [spmem:s31], $0x1000  }
0x5e: {  	_ =	swait.ge [sflag:s22], $0x1000  }
0x5f: {  	[sflag:s22] =	ssyncset.done $0x0  }
0x60: {  	[sflag:s22] =	ssyncadd.s32 $0xFFFFF000  }
0x61: {  	[hbm:s15], [sflag:s29] =	dma.local [spmem:s20], $0x1000  }
0x62: {  	_ =	swait.ge [sflag:s26], $0x1000  }
0x63: {  	[sflag:s26] =	ssyncset.done $0x0  }
0x64: {  	[sflag:s26] =	ssyncadd.s32 $0xFFFFF000  }
0x65: {  	_ =	swait.ge [sflag:s28], $0x1000  }
0x66: {  	[sflag:s28] =	ssyncset.done $0x0  }
0x67: {  	[sflag:s28] =	ssyncadd.s32 $0xFFFFF000  }
0x68: {  	_ =	swait.ge [sflag:s24], $0x1000  }
0x69: {  	s1 =	sadd.s32 $0x1, s1;
	s31 =	rddreg [dreg:$0x8]  }
0x6a: {  	p0 =	sne.s32 s1, s31  }
.Ltmp1:
0x6b: {  	_ = 	snop;
	(pc) =	sbr.rel @p0 .LBB2_1-.Ltmp1, $3  }
0x6c: {  	_ =	sdelay $0x1  }
0x6d: {  	[sflag:s24] =	ssyncset.done $0x0  }
0x6e: {  	[sflag:s24] =	ssyncadd.s32 $0xFFFFF000  }
0x6f: {  	_ =	sfence.sel $0x180000  }
0x70: {  	[bflag:$0x0] =	sbarrier.arrive $0xFFFF  }
0x71: {  	_ =	strace $0x90000047  }
0x72: {  	s0 =	stileid.u32;
	[bflag:$0x2] =	sbarrier.arrive $0xFFFF  }
0x73: {  	p0 =	sne.s32 s0, $0x0;
	s0 =	rddreg [dreg:$0x3]  }
0x74: {  	s0 =	sadd.s32 @!p0 $0x100000, s0  }
0x75: {  	[sflag:s0] =	ssyncadd.tile.s32 @!p0 $0x1;
	_ =	shalt  }
.Lfunc_end2:
_tile_overlayer_lowered:
.L_overlay_start_2:
0x76: {  	(tag) =	ssettag $0x2  }
0x77: {  	s0 =	rddreg [dreg:$0x0];
	s2 =	stileid.u32  }
0x78: {  	s1 =	rddreg [dreg:$0x1];
	p0 =	sne.s32 s2, $0x0  }
0x79: {  	s3 =	rddreg [dreg:$0x2];
	[bflag:$0x3] =	sbarrier.arrive $0xFFFF;
	s2 =	simm.s32 @!p0 $0x1C07  }
0x7a: {  	[timem:s3], [sflag:s2] =	dma.local @!p0 [hbm:s0], s1  }
0x7b: {  	s0 =	simm.s32 @!p0 $0x7  }
0x7c: {  	_ =	swait.ge @!p0 [sflag:s0], s1  }
0x7d: {  	s1 =	ssub.s32 @!p0 $0x0, s1;
	[sflag:s0] =	ssyncset.done @!p0 $0x0  }
0x7e: {  	[sflag:s0] =	ssyncadd.s32 @!p0 s1  }
0x7f: {  	[bflag:$0x3] =	sbarrier.arrive $0xFFFF  }
0x80: {  	_ =	shalt  }

</sc_bundles>
